<compile_context>
chip_gen: v7x
topology: tpu7x:2x2x1
jax: 0.10.2.dev20260603
libtpu: 0.0.44.dev20260713+nightly
codegen_flags: <defaults>
</compile_context>

<pallas_src>
import functools
import math

import jax
import jax.numpy as jnp
from jax import lax
from jax.experimental import pallas as pl
from jax.experimental.pallas import tpu as pltpu
from jax.experimental.pallas import tpu_sc as plsc

NUM_SAMPLES = 100000
NUM_FEATURES = 128
BATCH = 1024
TEMP = 0.02
LOG2E = math.log2(math.e)

NSTREAM = 5
BLOCK_N = 4000
NB = NUM_SAMPLES // (NSTREAM * BLOCK_N)


def _prep_body(img_ref, img2_ref):
    img = img_ref[...]
    n = jnp.sqrt(jnp.sum(img * img, axis=1, keepdims=True))
    img2_ref[...] = img * (LOG2E / TEMP / jnp.maximum(n, 1e-12))


def _stream_body(img2_ref, f0_ref, f1_ref, f2_ref, f3_ref, f4_ref, acc_ref, acc_scr):
    step = pl.program_id(0)

    @pl.when(step == 0)
    def _init():
        acc_scr[...] = jnp.zeros_like(acc_scr)

    img2 = img2_ref[...]
    s = jnp.zeros((BATCH, 1), jnp.float32)
    for f_ref in (f0_ref, f1_ref, f2_ref, f3_ref, f4_ref):
        z = lax.dot_general(
            img2, f_ref[...], (((1,), (1,)), ((), ())),
            preferred_element_type=jnp.float32)
        s = s + jnp.sum(jnp.exp2(z), axis=1, keepdims=True)
    acc_scr[...] += s

    @pl.when(step == NB - 1)
    def _fin():
        acc_ref[...] = acc_scr[...]


def _combine_body(img2_ref, g_ref, acc_ref, out_ref):
    tgt = jnp.sum(img2_ref[...] * g_ref[...], axis=1, keepdims=True)
    lse2 = jnp.log(acc_ref[...]) * LOG2E
    out_ref[...] = (jnp.mean(lse2 - tgt) * (1.0 / LOG2E)).reshape(1, 1)


def _tc_loss(img, feats, tgt_idx):
    img2 = pl.pallas_call(
        _prep_body,
        out_shape=jax.ShapeDtypeStruct((BATCH, NUM_FEATURES), jnp.float32),
    )(img)

    def _feat_spec(s):
        return pl.BlockSpec((BLOCK_N, NUM_FEATURES), lambda i, s=s: (s * NB + i, 0))

    acc = pl.pallas_call(
        _stream_body,
        grid=(NB,),
        in_specs=[pl.BlockSpec((BATCH, NUM_FEATURES), lambda i: (0, 0))]
        + [_feat_spec(s) for s in range(NSTREAM)],
        out_specs=pl.BlockSpec((BATCH, 1), lambda i: (0, 0)),
        out_shape=jax.ShapeDtypeStruct((BATCH, 1), jnp.float32),
        scratch_shapes=[pltpu.VMEM((BATCH, 1), jnp.float32)],
        compiler_params=pltpu.CompilerParams(
            dimension_semantics=("arbitrary",)),
    )(img2, feats, feats, feats, feats, feats)

    g = _make_sc_gather()(feats, tgt_idx)
    out = pl.pallas_call(
        _combine_body,
        out_shape=jax.ShapeDtypeStruct((1, 1), jnp.float32),
    )(img2, g, acc)
    return out[0, 0]


def _make_sc_gather():
    info = plsc.get_sparse_core_info()
    nc, ns = 1, info.num_subcores
    nw = nc * ns
    b_per_w = BATCH // nw
    mesh = plsc.VectorSubcoreMesh(
        core_axis_name="c", subcore_axis_name="s", num_cores=nc)

    @functools.partial(
        pl.kernel, mesh=mesh,
        out_type=jax.ShapeDtypeStruct((BATCH, NUM_FEATURES), jnp.float32),
        scratch_types=[
            pltpu.VMEM((b_per_w,), jnp.int32),
            pltpu.VMEM((b_per_w, NUM_FEATURES), jnp.float32),
            pltpu.SemaphoreType.DMA,
        ],
    )
    def sc_gather(table_hbm, idx_hbm, out_hbm, idx_v, rows_v, sem):
        wid = lax.axis_index("s") * nc + lax.axis_index("c")
        base = wid * b_per_w
        pltpu.sync_copy(idx_hbm.at[pl.ds(base, b_per_w)], idx_v)
        pltpu.async_copy(table_hbm.at[idx_v], rows_v, sem).wait()
        pltpu.sync_copy(rows_v, out_hbm.at[pl.ds(base, b_per_w)])

    return sc_gather


def kernel(image_inputs, text_inputs, targets, features):
    del text_inputs
    return _tc_loss(image_inputs, features, targets.astype(jnp.int32))

# --- scband reference (transcript-rebuilt; emitter-appended) ---
"""Pipeline reference for scband-cluster-memory-9131100471995 (READ-ONLY COPY).

The authoritative reference and input builder live on the scoring server;
editing this copy changes nothing except your own understanding.
"""

import jax, jax.numpy as jnp
import numpy as np

NUM_SAMPLES = 100000
NUM_FEATURES = 128
BATCH = 1024
TEMP = 0.02

def _normalize(x, eps=1e-12):
    n = jnp.linalg.norm(x, axis=1, keepdims=True)
    return x / jnp.maximum(n, eps)

def setup_inputs(seed: int = 0) -> dict:
    key = jax.random.key(seed)
    k1, k2, k3, k4 = jax.random.split(key, 4)
    image_inputs = jax.random.normal(k1, (BATCH, NUM_FEATURES), dtype=jnp.float32)
    text_inputs = jax.random.normal(k2, (BATCH, NUM_FEATURES), dtype=jnp.float32)
    targets = jax.random.randint(k3, (BATCH,), 0, NUM_SAMPLES, dtype=jnp.int64)
    # cluster-memory bank (buffer); zeros in torch init but populated with
    # normalized cluster centers in practice -- use normalized random rows
    features = _normalize(jax.random.normal(k4, (NUM_SAMPLES, NUM_FEATURES), dtype=jnp.float32))
    return {"image_inputs": image_inputs, "text_inputs": text_inputs, "targets": targets, "features": features}

def reference(image_inputs, text_inputs, targets, features):
    img = _normalize(image_inputs)
    txt = _normalize(text_inputs)  # used only for the memory-bank momentum update (backward side effect)
    # CM.forward: similarity of image features against the whole memory bank
    outputs = img @ features.T
    outputs = outputs / TEMP
    # F.cross_entropy(outputs, targets)
    logp = jax.nn.log_softmax(outputs, axis=-1)
    loss = -jnp.mean(jnp.take_along_axis(logp, targets[:, None], axis=1))
    return loss

if __name__ == "__main__":
    import jax
    _d = setup_inputs()
    print(jax.jit(kernel)(*tuple(_d.values())))

</pallas_src>

<mosaic_0001>
#map = affine_map<(d0, d1) -> (0, 0)>
#map1 = affine_map<(d0, d1) -> (0)>
module attributes {stable_mosaic.version = 14 : i64} {
  func.func @sc_gather(%arg0: i32, %arg1: i32, %arg2: memref<100000x128xf32, #tpu.memory_space<hbm>>, %arg3: memref<1024xi32, #tpu.memory_space<hbm>>, %arg4: memref<1024x128xf32, #tpu.memory_space<hbm>>, %arg5: memref<64xi32, #tpu.memory_space<vmem>>, %arg6: memref<64x128xf32, #tpu.memory_space<vmem>>, %arg7: memref<!tpu.dma_semaphore, #tpu.memory_space<semaphore_mem>>) attributes {dimension_semantics = [#tpu.dimension_semantics<core_parallel>, #tpu.dimension_semantics<subcore_parallel>], iteration_bounds = array<i64: 1, 16>, scalar_prefetch = 0 : i64, scratch_operands = 3 : i64, tpu.core_type = #tpu.core_type<sc_vector_subcore>, window_params = [{transform_indices = #map}, {transform_indices = #map1}, {transform_indices = #map}]} {
    %mul3A = arith.constant 1 : i32
    %mul3A_0 = arith.muli %arg1, %mul3A : i32
    %add3A = arith.addi %mul3A_0, %arg0 : i32
    %mul3A_1 = arith.constant 64 : i32
    %mul3A_2 = arith.muli %add3A, %mul3A_1 : i32
    "tpu.region"() ({
      %run_scoped3A = tpu.sem_alloc : memref<!tpu.dma_semaphore, #tpu.memory_space<semaphore_mem>>
      %dma_start3A_7 = tpu.memref_slice %arg3[%mul3A_2] : memref<1024xi32, #tpu.memory_space<hbm>> -> memref<64xi32, #tpu.memory_space<hbm>>
      %dma_start3A_8 = tpu.memref_slice %arg3[%mul3A_2] : memref<1024xi32, #tpu.memory_space<hbm>> -> memref<64xi32, #tpu.memory_space<hbm>>
      tpu.enqueue_dma source(%dma_start3A_8 : memref<64xi32, #tpu.memory_space<hbm>>) target(%arg5 : memref<64xi32, #tpu.memory_space<vmem>>) target_semaphore(%run_scoped3A : memref<!tpu.dma_semaphore, #tpu.memory_space<semaphore_mem>>)
      %dma_wait3A_9 = tpu.memref_slice %arg3[%mul3A_2] : memref<1024xi32, #tpu.memory_space<hbm>> -> memref<64xi32, #tpu.memory_space<hbm>>
      %dma_wait3A_10 = tpu.memref_slice %arg3[%mul3A_2] : memref<1024xi32, #tpu.memory_space<hbm>> -> memref<64xi32, #tpu.memory_space<hbm>>
      tpu.wait_dma2 semaphore(%run_scoped3A : memref<!tpu.dma_semaphore, #tpu.memory_space<semaphore_mem>>) src(%dma_wait3A_10 : memref<64xi32, #tpu.memory_space<hbm>>) dst(%arg5 : memref<64xi32, #tpu.memory_space<vmem>>)
      tpu.yield
    }) : () -> ()
    %dma_start3A = arith.constant 0 : i32
    %dma_start3A_3 = arith.constant 0 : i32
    %dma_start3A_4 = tpu.memref_slice %arg2[%dma_start3A, %dma_start3A_3] : memref<100000x128xf32, #tpu.memory_space<hbm>> -> memref<100000x128xf32, #tpu.memory_space<hbm>>
    tpu.enqueue_indirect_dma source(%dma_start3A_4 : memref<100000x128xf32, #tpu.memory_space<hbm>>) target(%arg6 : memref<64x128xf32, #tpu.memory_space<vmem>>) offsets(%arg5 : memref<64xi32, #tpu.memory_space<vmem>>) semaphore(%arg7 : memref<!tpu.dma_semaphore, #tpu.memory_space<semaphore_mem>>)
    %dma_wait3A = arith.constant 0 : i32
    %dma_wait3A_5 = arith.constant 0 : i32
    %dma_wait3A_6 = tpu.memref_slice %arg2[%dma_wait3A, %dma_wait3A_5] : memref<100000x128xf32, #tpu.memory_space<hbm>> -> memref<100000x128xf32, #tpu.memory_space<hbm>>
    tpu.wait_indirect_dma semaphore(%arg7 : memref<!tpu.dma_semaphore, #tpu.memory_space<semaphore_mem>>) src(%dma_wait3A_6 : memref<100000x128xf32, #tpu.memory_space<hbm>>) dst(%arg6 : memref<64x128xf32, #tpu.memory_space<vmem>>)
    "tpu.region"() ({
      %run_scoped3A = tpu.sem_alloc : memref<!tpu.dma_semaphore, #tpu.memory_space<semaphore_mem>>
      %dma_start3A_7 = arith.constant 0 : i32
      %dma_start3A_8 = tpu.memref_slice %arg4[%mul3A_2, %dma_start3A_7] : memref<1024x128xf32, #tpu.memory_space<hbm>> -> memref<64x128xf32, #tpu.memory_space<hbm>>
      %dma_start3A_9 = arith.constant 0 : i32
      %dma_start3A_10 = tpu.memref_slice %arg4[%mul3A_2, %dma_start3A_9] : memref<1024x128xf32, #tpu.memory_space<hbm>> -> memref<64x128xf32, #tpu.memory_space<hbm>>
      tpu.enqueue_dma source(%arg6 : memref<64x128xf32, #tpu.memory_space<vmem>>) target(%dma_start3A_10 : memref<64x128xf32, #tpu.memory_space<hbm>>) target_semaphore(%run_scoped3A : memref<!tpu.dma_semaphore, #tpu.memory_space<semaphore_mem>>)
      %dma_wait3A_11 = arith.constant 0 : i32
      %dma_wait3A_12 = tpu.memref_slice %arg4[%mul3A_2, %dma_wait3A_11] : memref<1024x128xf32, #tpu.memory_space<hbm>> -> memref<64x128xf32, #tpu.memory_space<hbm>>
      %dma_wait3A_13 = arith.constant 0 : i32
      %dma_wait3A_14 = tpu.memref_slice %arg4[%mul3A_2, %dma_wait3A_13] : memref<1024x128xf32, #tpu.memory_space<hbm>> -> memref<64x128xf32, #tpu.memory_space<hbm>>
      tpu.wait_dma2 semaphore(%run_scoped3A : memref<!tpu.dma_semaphore, #tpu.memory_space<semaphore_mem>>) src(%arg6 : memref<64x128xf32, #tpu.memory_space<vmem>>) dst(%dma_wait3A_14 : memref<64x128xf32, #tpu.memory_space<hbm>>)
      tpu.yield
    }) : () -> ()
    return
  }
}

module attributes {stable_mosaic.version = 14 : i64} {
  func.func @_prep_body(%arg0: memref<1024x128xf32, #tpu.memory_space<vmem>>, %arg1: memref<1024x128xf32, #tpu.memory_space<vmem>>) attributes {dimension_semantics = [], scalar_prefetch = 0 : i64, scratch_operands = 0 : i64, tpu.core_type = #tpu.core_type<tc>} {
    %get3A = arith.constant 0 : index
    %get3A_0 = arith.constant 0 : index
    %get3A_1 = vector.load %arg0[%get3A, %get3A_0] : memref<1024x128xf32, #tpu.memory_space<vmem>>, vector<1024x128xf32>
    %mul3A = arith.mulf %get3A_1, %get3A_1 : vector<1024x128xf32>
    %reduce_sum3A = arith.constant dense<0.000000e+00> : vector<1024xf32>
    %reduce_sum3A_2 = vector.multi_reduction <add>, %mul3A, %reduce_sum3A [1] : vector<1024x128xf32> to vector<1024xf32>
    %broadcast_in_dim3A = vector.shape_cast %reduce_sum3A_2 : vector<1024xf32> to vector<1024x1xf32>
    %sqrt3A = math.sqrt %broadcast_in_dim3A : vector<1024x1xf32>
    %max3A = arith.constant 9.99999996E-13 : f32
    %max3A_3 = vector.broadcast %max3A : f32 to vector<1024x1xf32>
    %max3A_4 = arith.maximumf %sqrt3A, %max3A_3 : vector<1024x1xf32>
    %div3A = arith.constant 72.1347503 : f32
    %div3A_5 = vector.broadcast %div3A : f32 to vector<1024x1xf32>
    %div3A_6 = arith.divf %div3A_5, %max3A_4 : vector<1024x1xf32>
    %mul3A_7 = vector.broadcast %div3A_6 : vector<1024x1xf32> to vector<1024x128xf32>
    %mul3A_8 = arith.mulf %get3A_1, %mul3A_7 : vector<1024x128xf32>
    %swap3A = arith.constant 0 : index
    %swap3A_9 = arith.constant 0 : index
    %swap3A_10 = vector.load %arg1[%swap3A, %swap3A_9] : memref<1024x128xf32, #tpu.memory_space<vmem>>, vector<1024x128xf32>
    tpu.vector_store %arg1[%swap3A, %swap3A_9], %mul3A_8 {strides = array<i32>} : memref<1024x128xf32, #tpu.memory_space<vmem>>, vector<1024x128xf32>,
    return
  }
}

module attributes {stable_mosaic.version = 14 : i64} {
  func.func @_stream_body(%arg0: i32, %arg1: memref<1024x128xf32, #tpu.memory_space<vmem>>, %arg2: memref<4000x128xf32, #tpu.memory_space<vmem>>, %arg3: memref<4000x128xf32, #tpu.memory_space<vmem>>, %arg4: memref<4000x128xf32, #tpu.memory_space<vmem>>, %arg5: memref<4000x128xf32, #tpu.memory_space<vmem>>, %arg6: memref<4000x128xf32, #tpu.memory_space<vmem>>, %arg7: memref<1024x1xf32, #tpu.memory_space<vmem>>, %arg8: memref<1024x1xf32, #tpu.memory_space<vmem>>) attributes {dimension_semantics = [#tpu.dimension_semantics<arbitrary>], iteration_bounds = array<i64: 5>, scalar_prefetch = 0 : i64, scratch_operands = 1 : i64, tpu.core_type = #tpu.core_type<tc>, window_params = [{pipeline_mode = #tpu.pipeline_mode<synchronous>, transform_indices = @transform_0, window_bounds = array<i64: 1024, 128>}, {transform_indices = @transform_1, window_bounds = array<i64: 4000, 128>}, {transform_indices = @transform_2, window_bounds = array<i64: 4000, 128>}, {transform_indices = @transform_3, window_bounds = array<i64: 4000, 128>}, {transform_indices = @transform_4, window_bounds = array<i64: 4000, 128>}, {transform_indices = @transform_5, window_bounds = array<i64: 4000, 128>}, {pipeline_mode = #tpu.pipeline_mode<synchronous>, transform_indices = @transform_6, window_bounds = array<i64: 1024, 1>}]} {
    %eq3A = arith.constant 0 : i32
    %eq3A_0 = arith.cmpi eq, %arg0, %eq3A : i32
    %convert_element_type3A = arith.extui %eq3A_0 : i1 to i32
    %cond3A = arith.constant 0 : i32
    %cond3A_1 = arith.cmpi ne, %convert_element_type3A, %cond3A : i32
    scf.if %cond3A_1 {
      %broadcast_in_dim3A_62 = arith.constant 0.000000e+00 : f32
      %broadcast_in_dim3A_63 = vector.broadcast %broadcast_in_dim3A_62 : f32 to vector<1024x1xf32>
      %swap3A_64 = arith.constant 0 : index
      %swap3A_65 = arith.constant 0 : index
      %swap3A_66 = vector.load %arg8[%swap3A_64, %swap3A_65] : memref<1024x1xf32, #tpu.memory_space<vmem>>, vector<1024x1xf32>
      tpu.vector_store %arg8[%swap3A_64, %swap3A_65], %broadcast_in_dim3A_63 {strides = array<i32>} : memref<1024x1xf32, #tpu.memory_space<vmem>>, vector<1024x1xf32>,
    } else {
    }
    %get3A = arith.constant 0 : index
    %get3A_2 = arith.constant 0 : index
    %get3A_3 = vector.load %arg1[%get3A, %get3A_2] : memref<1024x128xf32, #tpu.memory_space<vmem>>, vector<1024x128xf32>
    %broadcast_in_dim3A = arith.constant 0.000000e+00 : f32
    %broadcast_in_dim3A_4 = vector.broadcast %broadcast_in_dim3A : f32 to vector<1024x1xf32>
    %get3A_5 = arith.constant 0 : index
    %get3A_6 = arith.constant 0 : index
    %get3A_7 = vector.load %arg2[%get3A_5, %get3A_6] : memref<4000x128xf32, #tpu.memory_space<vmem>>, vector<4000x128xf32>
    %dot_general3A = arith.constant dense<0.000000e+00> : vector<1024x4000xf32>
    %dot_general3A_8 = tpu.matmul %get3A_3, %get3A_7, %dot_general3A {dimension_numbers = #tpu.dot_dimension_numbers<[1], [1], [0], [0], [0, 0, 1, 0], [], []>, transpose_lhs_hint = false} : vector<1024x128xf32>, vector<4000x128xf32>, vector<1024x4000xf32> -> vector<1024x4000xf32>
    %exp23A = math.exp2 %dot_general3A_8 : vector<1024x4000xf32>
    %reduce_sum3A = arith.constant dense<0.000000e+00> : vector<1024xf32>
    %reduce_sum3A_9 = vector.multi_reduction <add>, %exp23A, %reduce_sum3A [1] : vector<1024x4000xf32> to vector<1024xf32>
    %broadcast_in_dim3A_10 = vector.shape_cast %reduce_sum3A_9 : vector<1024xf32> to vector<1024x1xf32>
    %add3A = arith.addf %broadcast_in_dim3A_4, %broadcast_in_dim3A_10 : vector<1024x1xf32>
    %get3A_11 = arith.constant 0 : index
    %get3A_12 = arith.constant 0 : index
    %get3A_13 = vector.load %arg3[%get3A_11, %get3A_12] : memref<4000x128xf32, #tpu.memory_space<vmem>>, vector<4000x128xf32>
    %dot_general3A_14 = arith.constant dense<0.000000e+00> : vector<1024x4000xf32>
    %dot_general3A_15 = tpu.matmul %get3A_3, %get3A_13, %dot_general3A_14 {dimension_numbers = #tpu.dot_dimension_numbers<[1], [1], [0], [0], [0, 0, 1, 0], [], []>, transpose_lhs_hint = false} : vector<1024x128xf32>, vector<4000x128xf32>, vector<1024x4000xf32> -> vector<1024x4000xf32>
    %exp23A_16 = math.exp2 %dot_general3A_15 : vector<1024x4000xf32>
    %reduce_sum3A_17 = arith.constant dense<0.000000e+00> : vector<1024xf32>
    %reduce_sum3A_18 = vector.multi_reduction <add>, %exp23A_16, %reduce_sum3A_17 [1] : vector<1024x4000xf32> to vector<1024xf32>
    %broadcast_in_dim3A_19 = vector.shape_cast %reduce_sum3A_18 : vector<1024xf32> to vector<1024x1xf32>
    %add3A_20 = arith.addf %add3A, %broadcast_in_dim3A_19 : vector<1024x1xf32>
    %get3A_21 = arith.constant 0 : index
    %get3A_22 = arith.constant 0 : index
    %get3A_23 = vector.load %arg4[%get3A_21, %get3A_22] : memref<4000x128xf32, #tpu.memory_space<vmem>>, vector<4000x128xf32>
    %dot_general3A_24 = arith.constant dense<0.000000e+00> : vector<1024x4000xf32>
    %dot_general3A_25 = tpu.matmul %get3A_3, %get3A_23, %dot_general3A_24 {dimension_numbers = #tpu.dot_dimension_numbers<[1], [1], [0], [0], [0, 0, 1, 0], [], []>, transpose_lhs_hint = false} : vector<1024x128xf32>, vector<4000x128xf32>, vector<1024x4000xf32> -> vector<1024x4000xf32>
    %exp23A_26 = math.exp2 %dot_general3A_25 : vector<1024x4000xf32>
    %reduce_sum3A_27 = arith.constant dense<0.000000e+00> : vector<1024xf32>
    %reduce_sum3A_28 = vector.multi_reduction <add>, %exp23A_26, %reduce_sum3A_27 [1] : vector<1024x4000xf32> to vector<1024xf32>
    %broadcast_in_dim3A_29 = vector.shape_cast %reduce_sum3A_28 : vector<1024xf32> to vector<1024x1xf32>
    %add3A_30 = arith.addf %add3A_20, %broadcast_in_dim3A_29 : vector<1024x1xf32>
    %get3A_31 = arith.constant 0 : index
    %get3A_32 = arith.constant 0 : index
    %get3A_33 = vector.load %arg5[%get3A_31, %get3A_32] : memref<4000x128xf32, #tpu.memory_space<vmem>>, vector<4000x128xf32>
    %dot_general3A_34 = arith.constant dense<0.000000e+00> : vector<1024x4000xf32>
    %dot_general3A_35 = tpu.matmul %get3A_3, %get3A_33, %dot_general3A_34 {dimension_numbers = #tpu.dot_dimension_numbers<[1], [1], [0], [0], [0, 0, 1, 0], [], []>, transpose_lhs_hint = false} : vector<1024x128xf32>, vector<4000x128xf32>, vector<1024x4000xf32> -> vector<1024x4000xf32>
    %exp23A_36 = math.exp2 %dot_general3A_35 : vector<1024x4000xf32>
    %reduce_sum3A_37 = arith.constant dense<0.000000e+00> : vector<1024xf32>
    %reduce_sum3A_38 = vector.multi_reduction <add>, %exp23A_36, %reduce_sum3A_37 [1] : vector<1024x4000xf32> to vector<1024xf32>
    %broadcast_in_dim3A_39 = vector.shape_cast %reduce_sum3A_38 : vector<1024xf32> to vector<1024x1xf32>
    %add3A_40 = arith.addf %add3A_30, %broadcast_in_dim3A_39 : vector<1024x1xf32>
    %get3A_41 = arith.constant 0 : index
    %get3A_42 = arith.constant 0 : index
    %get3A_43 = vector.load %arg6[%get3A_41, %get3A_42] : memref<4000x128xf32, #tpu.memory_space<vmem>>, vector<4000x128xf32>
    %dot_general3A_44 = arith.constant dense<0.000000e+00> : vector<1024x4000xf32>
    %dot_general3A_45 = tpu.matmul %get3A_3, %get3A_43, %dot_general3A_44 {dimension_numbers = #tpu.dot_dimension_numbers<[1], [1], [0], [0], [0, 0, 1, 0], [], []>, transpose_lhs_hint = false} : vector<1024x128xf32>, vector<4000x128xf32>, vector<1024x4000xf32> -> vector<1024x4000xf32>
    %exp23A_46 = math.exp2 %dot_general3A_45 : vector<1024x4000xf32>
    %reduce_sum3A_47 = arith.constant dense<0.000000e+00> : vector<1024xf32>
    %reduce_sum3A_48 = vector.multi_reduction <add>, %exp23A_46, %reduce_sum3A_47 [1] : vector<1024x4000xf32> to vector<1024xf32>
    %broadcast_in_dim3A_49 = vector.shape_cast %reduce_sum3A_48 : vector<1024xf32> to vector<1024x1xf32>
    %add3A_50 = arith.addf %add3A_40, %broadcast_in_dim3A_49 : vector<1024x1xf32>
    %get3A_51 = arith.constant 0 : index
    %get3A_52 = arith.constant 0 : index
    %get3A_53 = vector.load %arg8[%get3A_51, %get3A_52] : memref<1024x1xf32, #tpu.memory_space<vmem>>, vector<1024x1xf32>
    %add3A_54 = arith.addf %get3A_53, %add3A_50 : vector<1024x1xf32>
    %swap3A = arith.constant 0 : index
    %swap3A_55 = arith.constant 0 : index
    %swap3A_56 = vector.load %arg8[%swap3A, %swap3A_55] : memref<1024x1xf32, #tpu.memory_space<vmem>>, vector<1024x1xf32>
    tpu.vector_store %arg8[%swap3A, %swap3A_55], %add3A_54 {strides = array<i32>} : memref<1024x1xf32, #tpu.memory_space<vmem>>, vector<1024x1xf32>,
    %eq3A_57 = arith.constant 4 : i32
    %eq3A_58 = arith.cmpi eq, %arg0, %eq3A_57 : i32
    %convert_element_type3A_59 = arith.extui %eq3A_58 : i1 to i32
    %cond3A_60 = arith.constant 0 : i32
    %cond3A_61 = arith.cmpi ne, %convert_element_type3A_59, %cond3A_60 : i32
    scf.if %cond3A_61 {
      %get3A_62 = arith.constant 0 : index
      %get3A_63 = arith.constant 0 : index
      %get3A_64 = vector.load %arg8[%get3A_62, %get3A_63] : memref<1024x1xf32, #tpu.memory_space<vmem>>, vector<1024x1xf32>
      %swap3A_65 = arith.constant 0 : index
      %swap3A_66 = arith.constant 0 : index
      %swap3A_67 = vector.load %arg7[%swap3A_65, %swap3A_66] : memref<1024x1xf32, #tpu.memory_space<vmem>>, vector<1024x1xf32>
      tpu.vector_store %arg7[%swap3A_65, %swap3A_66], %get3A_64 {strides = array<i32>} : memref<1024x1xf32, #tpu.memory_space<vmem>>, vector<1024x1xf32>,
    } else {
    }
    return
  }
  func.func @transform_0(%arg0: i32) -> (i32, i32) {
    %c0_i32 = arith.constant 0 : i32
    %c0_i32_0 = arith.constant 0 : i32
    %c0_i32_1 = arith.constant 0 : i32
    return %c0_i32, %c0_i32_0 : i32, i32
  }
  func.func @transform_1(%arg0: i32) -> (i32, i32) {
    %add3A = arith.constant 0 : i32
    %add3A_0 = arith.addi %add3A, %arg0 : i32
    %c0_i32 = arith.constant 0 : i32
    %c0_i32_1 = arith.constant 0 : i32
    return %add3A_0, %c0_i32 : i32, i32
  }
  func.func @transform_2(%arg0: i32) -> (i32, i32) {
    %add3A = arith.constant 5 : i32
    %add3A_0 = arith.addi %add3A, %arg0 : i32
    %c0_i32 = arith.constant 0 : i32
    %c0_i32_1 = arith.constant 0 : i32
    return %add3A_0, %c0_i32 : i32, i32
  }
  func.func @transform_3(%arg0: i32) -> (i32, i32) {
    %add3A = arith.constant 10 : i32
    %add3A_0 = arith.addi %add3A, %arg0 : i32
    %c0_i32 = arith.constant 0 : i32
    %c0_i32_1 = arith.constant 0 : i32
    return %add3A_0, %c0_i32 : i32, i32
  }
  func.func @transform_4(%arg0: i32) -> (i32, i32) {
    %add3A = arith.constant 15 : i32
    %add3A_0 = arith.addi %add3A, %arg0 : i32
    %c0_i32 = arith.constant 0 : i32
    %c0_i32_1 = arith.constant 0 : i32
    return %add3A_0, %c0_i32 : i32, i32
  }
  func.func @transform_5(%arg0: i32) -> (i32, i32) {
    %add3A = arith.constant 20 : i32
    %add3A_0 = arith.addi %add3A, %arg0 : i32
    %c0_i32 = arith.constant 0 : i32
    %c0_i32_1 = arith.constant 0 : i32
    return %add3A_0, %c0_i32 : i32, i32
  }
  func.func @transform_6(%arg0: i32) -> (i32, i32) {
    %c0_i32 = arith.constant 0 : i32
    %c0_i32_0 = arith.constant 0 : i32
    %c0_i32_1 = arith.constant 0 : i32
    return %c0_i32, %c0_i32_0 : i32, i32
  }
}

module attributes {stable_mosaic.version = 14 : i64} {
  func.func @_combine_body(%arg0: memref<1024x128xf32, #tpu.memory_space<vmem>>, %arg1: memref<1024x128xf32, #tpu.memory_space<vmem>>, %arg2: memref<1024x1xf32, #tpu.memory_space<vmem>>, %arg3: memref<1x1xf32, #tpu.memory_space<vmem>>) attributes {dimension_semantics = [], scalar_prefetch = 0 : i64, scratch_operands = 0 : i64, tpu.core_type = #tpu.core_type<tc>} {
    %get3A = arith.constant 0 : index
    %get3A_0 = arith.constant 0 : index
    %get3A_1 = vector.load %arg0[%get3A, %get3A_0] : memref<1024x128xf32, #tpu.memory_space<vmem>>, vector<1024x128xf32>
    %get3A_2 = arith.constant 0 : index
    %get3A_3 = arith.constant 0 : index
    %get3A_4 = vector.load %arg1[%get3A_2, %get3A_3] : memref<1024x128xf32, #tpu.memory_space<vmem>>, vector<1024x128xf32>
    %mul3A = arith.mulf %get3A_1, %get3A_4 : vector<1024x128xf32>
    %reduce_sum3A = arith.constant dense<0.000000e+00> : vector<1024xf32>
    %reduce_sum3A_5 = vector.multi_reduction <add>, %mul3A, %reduce_sum3A [1] : vector<1024x128xf32> to vector<1024xf32>
    %broadcast_in_dim3A = vector.shape_cast %reduce_sum3A_5 : vector<1024xf32> to vector<1024x1xf32>
    %get3A_6 = arith.constant 0 : index
    %get3A_7 = arith.constant 0 : index
    %get3A_8 = vector.load %arg2[%get3A_6, %get3A_7] : memref<1024x1xf32, #tpu.memory_space<vmem>>, vector<1024x1xf32>
    %log3A = math.log %get3A_8 : vector<1024x1xf32>
    %mul3A_9 = arith.constant 1.44269502 : f32
    %mul3A_10 = vector.broadcast %mul3A_9 : f32 to vector<1024x1xf32>
    %mul3A_11 = arith.mulf %log3A, %mul3A_10 : vector<1024x1xf32>
    %sub3A = arith.subf %mul3A_11, %broadcast_in_dim3A : vector<1024x1xf32>
    %reduce_sum3A_12 = vector.shape_cast %sub3A : vector<1024x1xf32> to vector<1x1024x1xf32>
    %reduce_sum3A_13 = arith.constant dense<0.000000e+00> : vector<1xf32>
    %reduce_sum3A_14 = vector.multi_reduction <add>, %reduce_sum3A_12, %reduce_sum3A_13 [1, 2] : vector<1x1024x1xf32> to vector<1xf32>
    %reduce_sum3A_15 = vector.shape_cast %reduce_sum3A_14 : vector<1xf32> to vector<1x1x1xf32>
    %reduce_sum3A_16 = vector.extract %reduce_sum3A_15[0, 0, 0] : f32 from vector<1x1x1xf32>
    %div3A = arith.constant 1.024000e+03 : f32
    %div3A_17 = arith.divf %reduce_sum3A_16, %div3A : f32
    %mul3A_18 = arith.constant 0.693147182 : f32
    %mul3A_19 = arith.mulf %div3A_17, %mul3A_18 : f32
    %reshape3A = vector.broadcast %mul3A_19 : f32 to vector<1x1xf32>
    %swap3A = arith.constant 0 : index
    %swap3A_20 = arith.constant 0 : index
    %swap3A_21 = vector.load %arg3[%swap3A, %swap3A_20] : memref<1x1xf32, #tpu.memory_space<vmem>>, vector<1x1xf32>
    tpu.vector_store %arg3[%swap3A, %swap3A_20], %reshape3A {strides = array<i32>} : memref<1x1xf32, #tpu.memory_space<vmem>>, vector<1x1xf32>,
    return
  }
}

</mosaic_0001>

<sc_bundles>
// kernel: kernel.6.cloned.1.call-start
scs
__scs_entry_jumppad:
0x0: {  	(pc) =	sbr.rel $0x88, $3  }
0x1: {  	(tag) =	ssettag $0x0;
	lr =	simm.s32 $0x1  }
0x2: {  	[smem:$0x3F9E] =	sst lr;
	_ =	strace $0xD0000000  }
0x3: {  	_ = 	snop  }
0x4: {  	_ = 	snop  }
0x5: {  	_ = 	snop  }
0x6: {  	_ = 	snop  }
0x7: {  	_ = 	snop  }
__scs_overlays_trampoline_lowered:
0x8: {  	[smem:$0x3FAD] =	sst s0  }
0x9: {  	[smem:$0x3FAE] =	sst s1  }
0xa: {  	[smem:$0x3FAF] =	sst s2  }
0xb: {  	[smem:$0x3FB0] =	sst s3  }
0xc: {  	[smem:$0x3FB1] =	sst s4  }
0xd: {  	[smem:$0x3FB2] =	sst s5  }
0xe: {  	[smem:$0x3FB3] =	sst s6  }
0xf: {  	[smem:$0x3FB4] =	sst s7  }
0x10: {  	[smem:$0x3FB5] =	sst s8  }
0x11: {  	[smem:$0x3FB6] =	sst s9;
	s0 =	simm.s32 @!p0 $0x0  }
0x12: {  	s1 =	sld [smem:$0x3F9C];
	s0 =	simm.s32 @p0 $0x1  }
0x13: {  	[smem:$0x3FB7] =	sst s0;
	s0 =	simm.s32 @!p1 $0x0  }
0x14: {  	s2 =	sld [smem:$0x3F9B];
	s0 =	simm.s32 @p1 $0x1  }
0x15: {  	[smem:$0x3FB8] =	sst s0;
	s0 =	simm.s32 @!p2 $0x0  }
0x16: {  	s3 =	sld [smem:$0x3FDB];
	s0 =	simm.s32 @p2 $0x1  }
0x17: {  	s4 =	simm.s32 $0x1BF5;
	[smem:$0x3FBA] =	sst s0  }
0x18: {  	s0 =	sld [smem:$0x3F9D];
	_ =	swait.ge [sflag:s4], $0x0  }
0x19: {  	s7 =	sld [smem:$0x3F9E]  }
0x1a: {  	s8 =	sadd.s32 $0xFFFFE003, lr  }
0x1b: {  	s9 =	sadd.s32 $0xFFFFFEF7, lr;
	s5 =	simm.s32 $0xFFFFFFFF;
	p2 =	slt.u32 s8, $0xFFFFF086  }
0x1c: {  	p1 =	slt.u32 s9, $0xF7A;
	s5 =	simm.s32 @!p2 $0x0  }
0x1d: {  	s5 =	simm.s32 @p1 $0x1;
	p0 =	seq.s32 s7, s2  }
0x1e: {  	s7 =	smul.u32 @!p0 $0xF7A, s2;
	p2 =	seq.s32 @!p0 s5, $0x0  }
0x1f: {  	s9 =	smul.u32 $0xF7A, s1;
	s8 =	simm.s32 @!p0 $0x1BF5;
	p2 =	por !p2, p0  }
0x20: {  	[sflag:s8] =	ssyncset.s32 @!p0 $0xFFFFF086;
	s6 =	sadd.s32 @!p0 s3, s7;
	s7 =	simm.s32 @!p0 $0x108  }
0x21: {  	s3 =	sadd.s32 s3, s9;
	s6 =	sadd.s32 @!p0 $0x88, s6;
	s7 =	simm.s32 @p2 $0x1082  }
0x22: {  	[simem:s7], [sflag:s8] =	dma.local @!p0 [hbm:s6], $0xF7A  }
0x23: {  	s9 =	sor.u32 $0xD0000000, s2;
	s6 =	simm.s32 $0x108;
	_ =	swait.ge @!p0 [sflag:s8], $0x0  }
0x24: {  	s3 =	sadd.s32 $0x88, s3;
	s6 =	simm.s32 @!p1 $0x1082;
	[sflag:s4] =	ssyncset.s32 $0xFFFFF086  }
0x25: {  	[simem:s6], [sflag:s4] =	dma.local [hbm:s3], $0xF7A  }
0x26: {  	[smem:$0x3F9E] =	sst s1;
	(tag) =	ssettag s2;
	_ =	strace s9  }
0x27: {  	s1 =	sld [smem:$0x3FAE]  }
0x28: {  	s2 =	sld [smem:$0x3FAF]  }
0x29: {  	s4 =	sld [smem:$0x3FB1]  }
0x2a: {  	p0 =	seq.s32 s5, $0x0;
	s5 =	sld [smem:$0x3FB2]  }
0x2b: {  	s6 =	sld [smem:$0x3FB3]  }
0x2c: {  	s7 =	sld [smem:$0x3FB4]  }
0x2d: {  	s3 =	simm.s32 $0x108;
	s8 =	sld [smem:$0x3FB5]  }
0x2e: {  	s3 =	simm.s32 @!p0 $0x1082;
	s9 =	sld [smem:$0x3FB6]  }
0x2f: {  	lr =	sadd.s32 s0, s3;
	s0 =	sld [smem:$0x3FAD]  }
0x30: {  	s3 =	sld [smem:$0x3FB0]  }
0x31: {  	[smem:$0x3FB9] =	sst s10  }
0x32: {  	s10 =	sld [smem:$0x3FB7];
	_ =	sdelay $0x3  }
0x33: {  	p0 =	seq.s32 s10, $0x1;
	s10 =	sld [smem:$0x3FB9];
	_ =	sdelay $0x3  }
0x34: {  	[smem:$0x3FB9] =	sst s10  }
0x35: {  	s10 =	sld [smem:$0x3FB8];
	_ =	sdelay $0x3  }
0x36: {  	p1 =	seq.s32 s10, $0x1;
	s10 =	sld [smem:$0x3FB9];
	_ =	sdelay $0x3  }
0x37: {  	[smem:$0x3FB9] =	sst s10  }
0x38: {  	s10 =	sld [smem:$0x3FBA]  }
0x39: {  	_ = 	snop;
	(pc) =	sbr.ind lr, $3  }
0x3a: {  	_ = 	snop  }
0x3b: {  	_ = 	snop  }
0x3c: {  	p2 =	seq.s32 s10, $0x1;
	s10 =	sld [smem:$0x3FB9]  }
0x3d: {  	_ =	shalt  }
0x3e: {  	_ =	shalt  }
0x3f: {  	_ =	shalt  }
0x40: {  	_ =	shalt  }
0x41: {  	_ =	shalt  }
0x42: {  	_ =	shalt  }
0x43: {  	_ =	shalt  }
0x44: {  	_ =	shalt  }
0x45: {  	_ =	shalt  }
0x46: {  	_ =	shalt  }
0x47: {  	_ =	shalt  }
0x48: {  	_ =	shalt  }
0x49: {  	_ =	shalt  }
0x4a: {  	_ =	shalt  }
0x4b: {  	_ =	shalt  }
0x4c: {  	_ =	shalt  }
0x4d: {  	_ =	shalt  }
0x4e: {  	_ =	shalt  }
0x4f: {  	_ =	shalt  }
0x50: {  	_ =	shalt  }
0x51: {  	_ =	shalt  }
0x52: {  	_ =	shalt  }
0x53: {  	_ =	shalt  }
0x54: {  	_ =	shalt  }
0x55: {  	_ =	shalt  }
0x56: {  	_ =	shalt  }
0x57: {  	_ =	shalt  }
0x58: {  	_ =	shalt  }
0x59: {  	_ =	shalt  }
0x5a: {  	_ =	shalt  }
0x5b: {  	_ =	shalt  }
0x5c: {  	_ =	shalt  }
0x5d: {  	_ =	shalt  }
0x5e: {  	_ =	shalt  }
0x5f: {  	_ =	shalt  }
0x60: {  	_ =	shalt  }
0x61: {  	_ =	shalt  }
0x62: {  	_ =	shalt  }
0x63: {  	_ =	shalt  }
0x64: {  	_ =	shalt  }
0x65: {  	_ =	shalt  }
0x66: {  	_ =	shalt  }
0x67: {  	_ =	shalt  }
0x68: {  	_ =	shalt  }
0x69: {  	_ =	shalt  }
0x6a: {  	_ =	shalt  }
0x6b: {  	_ =	shalt  }
0x6c: {  	_ =	shalt  }
0x6d: {  	_ =	shalt  }
0x6e: {  	_ =	shalt  }
0x6f: {  	_ =	shalt  }
0x70: {  	_ =	shalt  }
0x71: {  	_ =	shalt  }
0x72: {  	_ =	shalt  }
0x73: {  	_ =	shalt  }
0x74: {  	_ =	shalt  }
0x75: {  	_ =	shalt  }
0x76: {  	_ =	shalt  }
0x77: {  	_ =	shalt  }
0x78: {  	_ =	shalt  }
0x79: {  	_ =	shalt  }
0x7a: {  	_ =	shalt  }
0x7b: {  	_ =	shalt  }
0x7c: {  	_ =	shalt  }
0x7d: {  	_ =	shalt  }
0x7e: {  	_ =	shalt  }
0x7f: {  	_ =	shalt  }
0x80: {  	_ =	shalt  }
0x81: {  	_ =	shalt  }
0x82: {  	_ =	shalt  }
0x83: {  	_ =	shalt  }
0x84: {  	_ =	shalt  }
0x85: {  	_ =	shalt  }
0x86: {  	_ =	shalt  }
0x87: {  	_ =	shalt  }
.Lfunc_end0:
.L_simem_size_0:
called_computation_lowered:
.L_overlay_start_0:
0x88: {  	s0 =	sld [smem:$0x3FD9]  }
0x89: {  	s1 =	sld [smem:$0x3FFE];
	_ =	sdelay $0x3  }
0x8a: {  	s0 =	sadd.s32 s1, s0  }
0x8b: {  	[smem:$0x3FC5] =	sst s0  }
0x8c: {  	_ = 	snop  }
0x8d: {  	s0 =	sld [smem:$0x3FC8]  }
0x8e: {  	s16 =	sld [smem:$0x3FC7];
	(tm) =	ssettm $0x1  }
0x8f: {  	s2 =	sld [smem:$0x3FFB];
	_ =	sdelay $0x3  }
0x90: {  	_ =	strace s2  }
0x91: {  	s2 =	sld [smem:$0x3FFC];
	_ =	sdelay $0x3  }
0x92: {  	_ =	strace s2  }
0x93: {  	s2 =	sld [smem:$0x3FFD];
	_ =	sdelay $0x3  }
0x94: {  	_ =	strace s2  }
0x95: {  	_ =	strace $0x8FFFFFFF  }
0x96: {  	s17 =	sld [smem:$0x3FDB];
	_ =	sdelay $0x1  }
0x97: {  	s3 =	simm.s32 $_scs_section_size  }
0x98: {  	s4 =	simm.s32 $_size__tile_overlayer_lowered;
	s5 =	simm.s32 $_tile_overlayer_lowered  }
0x99: {  	s20 =	simm.s32 $0x1BFF;
	s19 =	sshll.u32 s5, $0x1;
	s2 =	sadd.s32 s3, s17  }
0x9a: {  	s6 =	simm.s32 $0x0;
	s18 =	sshll.u32 s4, $0x1;
	s4 =	sadd.s32 s19, s2  }
0x9b: {  	[timem:s6], [sflag:s20] =	dma.local [hbm:s4], s18  }
0x9c: {  	_ =	swait.ge [sflag:s20], s18  }
0x9d: {  	s3 =	ssub.s32 $0x0, s18;
	[sflag:s20] =	ssyncset.done $0x0  }
0x9e: {  	[sflag:s20] =	ssyncadd.s32 s3;
	_ =	sdelay $0x1  }
0x9f: {  	s21 =	simm.s32 $0x1B8B  }
0xa0: {  	_ =	swait.ge [sflag:s21], $0x1  }
0xa1: {  	[sflag:s21] =	ssyncset.done $0x0  }
0xa2: {  	s23 =	simm.s32 $0x1B8E;
	s22 =	sld [smem:$0x3FFE];
	[sflag:s21] =	ssyncadd.s32 $0xFFFFFFFF  }
0xa3: {  	s24 =	simm.s32 $execute0_lowered;
	[smem:$0x3FD2] =	sst s23  }
0xa4: {  	s4 =	sshll.u32 s24, $0x1;
	_ =	strace $0x80000046;
	[dreg:$0x1] =	wrdreg $0xFFFFFFFF  }
0xa5: {  	s25 =	simm.s32 $_size_execute0_lowered;
	s2 =	sadd.s32 s2, s4;
	[dreg:$0x0] =	wrdreg $0x0  }
0xa6: {  	s4 =	sshll.u32 s25, $0x1;
	[dreg:$0x2] =	wrdreg s2  }
0xa7: {  	[dreg:$0x3] =	wrdreg s4  }
0xa8: {  	[dreg:$0x4] =	wrdreg $0xC0  }
0xa9: {  	_ =	task [dreg:s6], $0x5FFFF  }
0xaa: {  	[dreg:$0x1] =	wrdreg $0xFFFFFFFF  }
0xab: {  	[dreg:$0x0] =	wrdreg $0x60  }
0xac: {  	[dreg:$0x2] =	wrdreg s16  }
0xad: {  	[dreg:$0x3] =	wrdreg s0  }
0xae: {  	[dreg:$0x4] =	wrdreg s22  }
0xaf: {  	[dreg:$0x5] =	wrdreg $0x9  }
0xb0: {  	_ =	task.clear_ibuf [dreg:s6], $0x6FFFF;
	_ =	strace $0x90000046  }
0xb1: {  	s26 =	simm.s32 $0x9;
	_ =	strace $0x80000048  }
0xb2: {  	_ =	swait.ge [sflag:s26], $0x1  }
0xb3: {  	[sflag:s26] =	ssyncadd.s32 $0xFFFFFFFF  }
0xb4: {  	_ =	strace $0x90000048  }
0xb5: {  	_ =	sfence  }
0xb6: {  	s28 =	sld [smem:$0x0];
	_ =	sdelay $0x1  }
0xb7: {  	s29 =	srdreg.scid  }
0xb8: {  	s30 =	sshll.u32 s29, $0xD;
	s31 =	sshrl.u32 s29, $0x2  }
0xb9: {  	s1 =	sand.u32 $0x1, s29;
	s2 =	sand.u32 $0x4000, s30;
	s0 =	sadd.s32 s31, s28  }
0xba: {  	s1 =	sor.u32 s2, s1;
	s0 =	sshll.u32 s0, $0x11  }
0xbb: {  	s0 =	sor.u32 s0, s1  }
0xbc: {  	s0 =	sadd.s32 $0x8F2B, s0  }
0xbd: {  	[sflag:s0] =	ssyncadd.remote.s32 $0x1  }
0xbe: {  	_ =	sfence.sel $0xFFFF  }
0xbf: {  	[dreg:$0x0] =	wrdreg $0xFFFFFFFF;
	(pc) =	sbr.abs _section_cstart, $3  }
0xc0: {  	[dreg:$0x1] =	wrdreg $0xFFFFFFFF  }
0xc1: {  	_ =	task.clear_ibuf [dreg:s6], $0x2FFFF;
	_ =	strace $0x9FFFFFFF  }
0xc2: {  	(tm) =	ssettm $0x7FFFFFFF  }
0xc3: {  	_ =	shalt  }
tec
execute0_lowered:
.L_overlay_start_1:
0x0: {  	(tag) =	ssettag $0x1  }
0x1: {  	s0 =	rddreg [dreg:$0x0]  }
0x2: {  	s1 =	rddreg [dreg:$0x1]  }
0x3: {  	s2 =	rddreg [dreg:$0x2]  }
0x4: {  	s3 =	rddreg [dreg:$0x3];
	s4 =	simm.s32 $0x0;
	s5 =	stileid.u32  }
0x5: {  	[smem:$0x7FF] =	sst s4;
	s6 =	sshll.u32 s5, $0x3  }
0x6: {  	s28 =	simm.s32 $0x2;
	_ =	strace $0x80000047;
	s1 =	sadd.s32 s1, s6  }
0x7: {  	[tilespmem:s4], [sflag:$0x2] =	stream.linear.gather [hbm4b:s1+s4], $0x40, $0x38;
	[tilespmem:$0x2080] =	vst v63  }
0x8: {  	_ =	swait.ge [sflag:s28], $0x40  }
0x9: {  	s29 =	simm.s32 $0x40;
	[sflag:s28] =	ssyncset.done $0x0  }
0xa: {  	s7 =	simm.s32 $0x80;
	s30 =	simm.s32 $0x1;
	[sflag:s28] =	ssyncadd.s32 $0xFFFFFFC0  }
0xb: {  	[tilespmem:s7], [sflag:$0x1] =	stream.indirect.gather [hbm4b:s0+s29], $0x80, s4, s29, $0xb8;
	[tilespmem:$0x2080] =	vst v63  }
0xc: {  	s31 =	sshll.u32 s5, $0xA;
	_ =	swait.ge [sflag:s30], $0x2000  }
0xd: {  	s2 =	sadd.s32 s31, s2;
	[sflag:s30] =	ssyncset.done $0x0  }
0xe: {  	s2 =	sadd.s32 $0x800, s2;
	[sflag:s30] =	ssyncadd.s32 $0xFFFFE000  }
0xf: {  	[hbm4b:s2+s4] =	stream.linear.scatter [tilespmem:s7], [sflag:$0x2], $0x2000, $0x38;
	[tilespmem:$0x2080] =	vst v63  }
0x10: {  	_ =	swait.ge [sflag:s28], $0x2000  }
0x11: {  	[sflag:s28] =	ssyncset.done $0x0  }
0x12: {  	[sflag:s28] =	ssyncadd.s32 $0xFFFFE000  }
0x13: {  	_ =	sfence.sel $0x180000  }
0x14: {  	[bflag:$0x0] =	sbarrier.arrive $0xFFFF  }
0x15: {  	p0 =	sne.s32 s5, $0x0;
	_ =	strace $0x90000047  }
0x16: {  	s0 =	sadd.s32 @!p0 $0x100000, s3;
	[bflag:$0x2] =	sbarrier.arrive $0xFFFF  }
0x17: {  	[sflag:s0] =	ssyncadd.tile.s32 @!p0 $0x1;
	_ =	shalt  }
.Lfunc_end2:
_tile_overlayer_lowered:
.L_overlay_start_2:
0x18: {  	(tag) =	ssettag $0x2  }
0x19: {  	s0 =	rddreg [dreg:$0x0];
	s2 =	stileid.u32  }
0x1a: {  	s1 =	rddreg [dreg:$0x1];
	p0 =	sne.s32 s2, $0x0  }
0x1b: {  	s3 =	rddreg [dreg:$0x2];
	[bflag:$0x3] =	sbarrier.arrive $0xFFFF;
	s2 =	simm.s32 @!p0 $0x1C02  }
0x1c: {  	[timem:s3], [sflag:s2] =	dma.local @!p0 [hbm:s0], s1  }
0x1d: {  	s0 =	simm.s32 @!p0 $0x2  }
0x1e: {  	_ =	swait.ge @!p0 [sflag:s0], s1  }
0x1f: {  	s1 =	ssub.s32 @!p0 $0x0, s1;
	[sflag:s0] =	ssyncset.done @!p0 $0x0  }
0x20: {  	[sflag:s0] =	ssyncadd.s32 @!p0 s1  }
0x21: {  	[bflag:$0x3] =	sbarrier.arrive $0xFFFF  }
0x22: {  	_ =	shalt  }

</sc_bundles>
